<compile_context>
chip_gen: v7x
topology: tpu7x:2x2x1
jax: 0.10.2.dev20260603
libtpu: 0.0.44.dev20260713+nightly
codegen_flags: <defaults>
</compile_context>

<pallas_src>
import functools

import jax
import jax.numpy as jnp
from jax import lax
from jax.experimental import pallas as pl
from jax.experimental.pallas import tpu as pltpu
from jax.experimental.pallas import tpu_sc as plsc

_VOCAB = 100000
_EMBED = 32
_BATCH = 1024
_CTX = 20

_NC = 2
_NS = 16
_NW = _NC * _NS
_CHUNK = 128
_KCHUNK = _BATCH // _CHUNK

_HALF = 16


def _sc_avg_body(idx_hbm, table_hbm, avgt_hbm, idx_v, val_v, avg_v, sem):
    wid = lax.axis_index("s") * _NC + lax.axis_index("c")

    pltpu.sync_copy(idx_hbm, idx_v)

    row = table_hbm.at[wid]

    def fire(c, carry):
        for k in range(_KCHUNK):
            pltpu.async_copy(
                row.at[idx_v.at[c, pl.ds(k * _CHUNK, _CHUNK)]],
                val_v.at[c, pl.ds(k * _CHUNK, _CHUNK)],
                sem,
            )
        return carry

    lax.fori_loop(0, _CTX, fire, 0)

    pltpu.make_async_copy(
        table_hbm.at[pl.ds(0, _CTX), pl.ds(0, _BATCH)], val_v, sem
    ).wait()

    inv = jnp.float32(1.0 / _CTX)

    def body(g, carry):
        o = g * _HALF
        acc = jnp.zeros((_HALF,), jnp.float32)
        for c in range(_CTX):
            acc = acc + val_v[c, pl.ds(o, _HALF)]
        avg_v[pl.ds(o, _HALF)] = acc * inv
        return carry

    lax.fori_loop(0, _BATCH // _HALF, body, 0)

    pltpu.sync_copy(avg_v, avgt_hbm.at[wid])


@functools.partial(
    pl.kernel,
    mesh=plsc.VectorSubcoreMesh(core_axis_name="c", subcore_axis_name="s"),
    out_type=jax.ShapeDtypeStruct((_EMBED, _BATCH), jnp.float32),
    scratch_types=[
        pltpu.VMEM((_CTX, _BATCH), jnp.int32),
        pltpu.VMEM((_CTX, _BATCH), jnp.float32),
        pltpu.VMEM((_BATCH,), jnp.float32),
        pltpu.SemaphoreType.DMA,
    ],
    compiler_params=pltpu.CompilerParams(use_tc_tiling_on_sc=False),
)
def _sc_avg(idx_hbm, table_hbm, avgt_hbm, idx_v, val_v, avg_v, sem):
    _sc_avg_body(idx_hbm, table_hbm, avgt_hbm, idx_v, val_v, avg_v, sem)


_VB = 2048


def _matmul_body(avgt_ref, wt_ref, b_ref, out_ref):
    acc = lax.dot_general(
        wt_ref[...],
        avgt_ref[...],
        (((0,), (0,)), ((), ())),
        preferred_element_type=jnp.float32,
    )
    out_ref[...] = acc + b_ref[...].T


def _tc_out(avgt, Wt, b2):
    return pl.pallas_call(
        _matmul_body,
        grid=(pl.cdiv(_VOCAB, _VB),),
        in_specs=[
            pl.BlockSpec((_EMBED, _BATCH), lambda i: (0, 0)),
            pl.BlockSpec((_EMBED, _VB), lambda i: (0, i)),
            pl.BlockSpec((1, _VB), lambda i: (0, i)),
        ],
        out_specs=pl.BlockSpec((_VB, _BATCH), lambda i: (i, 0)),
        out_shape=jax.ShapeDtypeStruct((_VOCAB, _BATCH), jnp.float32),
    )(avgt, Wt, b2)


def kernel(x, emb_table, W, b):
    idxT = x.astype(jnp.int32).T
    tableT = emb_table.T
    avgt = _sc_avg(idxT, tableT)
    outT = _tc_out(avgt, W.T, b.reshape(1, _VOCAB))
    return outT.T

# --- scband reference (transcript-rebuilt; emitter-appended) ---
"""Pipeline reference for scband-cbow-36730560315598 (READ-ONLY COPY).

The authoritative reference and input builder live on the scoring server;
editing this copy changes nothing except your own understanding.
"""

import jax, jax.numpy as jnp
import numpy as np

VOCAB = 100000
EMBED = 32
BATCH = 1024
CTX = 20


def setup_inputs(seed: int = 0) -> dict:
    key = jax.random.key(seed)
    k1, k2, k3, k4 = jax.random.split(key, 4)
    x = jax.random.randint(k1, (BATCH, CTX), 0, VOCAB, dtype=jnp.int64)
    emb_table = jax.random.normal(k2, (VOCAB, EMBED), dtype=jnp.float32)
    # nn.Linear(embed_dim, vocab_size): weight [vocab, embed], bias [vocab]
    W = jax.random.normal(k3, (VOCAB, EMBED), dtype=jnp.float32) * (1.0 / np.sqrt(EMBED))
    b = jax.random.normal(k4, (VOCAB,), dtype=jnp.float32) * 0.01
    return {"x": x, "emb_table": emb_table, "W": W, "b": b}


def reference(x, emb_table, W, b):
    # embedding lookup (SparseCore gather)
    emb = jnp.take(emb_table, x, axis=0)          # [B, CTX, E]
    average = jnp.mean(emb, axis=1)               # [B, E]
    out = average @ W.T + b                       # [B, VOCAB]
    return out

if __name__ == "__main__":
    import jax
    _d = setup_inputs()
    print(jax.jit(kernel)(*tuple(_d.values())))

</pallas_src>

<mosaic_0001>
#map = affine_map<(d0, d1) -> (0, 0)>
module attributes {stable_mosaic.version = 14 : i64} {
  func.func @_sc_avg(%arg0: i32, %arg1: i32, %arg2: memref<20x1024xi32, #tpu.memory_space<hbm>>, %arg3: memref<32x100000xf32, #tpu.memory_space<hbm>>, %arg4: memref<32x1024xf32, #tpu.memory_space<hbm>>, %arg5: memref<20x1024xi32, #tpu.memory_space<vmem>>, %arg6: memref<20x1024xf32, #tpu.memory_space<vmem>>, %arg7: memref<1024xf32, #tpu.memory_space<vmem>>, %arg8: memref<!tpu.dma_semaphore, #tpu.memory_space<semaphore_mem>>) attributes {dimension_semantics = [#tpu.dimension_semantics<core_parallel>, #tpu.dimension_semantics<subcore_parallel>], iteration_bounds = array<i64: 2, 16>, scalar_prefetch = 0 : i64, scratch_operands = 4 : i64, tpu.core_type = #tpu.core_type<sc_vector_subcore>, window_params = [{transform_indices = #map}, {transform_indices = #map}, {transform_indices = #map}]} {
    %mul3A = arith.constant 2 : i32
    %mul3A_0 = arith.muli %arg1, %mul3A : i32
    %add3A = arith.addi %mul3A_0, %arg0 : i32
    "tpu.region"() ({
      %run_scoped3A = tpu.sem_alloc : memref<!tpu.dma_semaphore, #tpu.memory_space<semaphore_mem>>
      tpu.enqueue_dma source(%arg2 : memref<20x1024xi32, #tpu.memory_space<hbm>>) target(%arg5 : memref<20x1024xi32, #tpu.memory_space<vmem>>) target_semaphore(%run_scoped3A : memref<!tpu.dma_semaphore, #tpu.memory_space<semaphore_mem>>)
      tpu.wait_dma2 semaphore(%run_scoped3A : memref<!tpu.dma_semaphore, #tpu.memory_space<semaphore_mem>>) src(%arg2 : memref<20x1024xi32, #tpu.memory_space<hbm>>) dst(%arg5 : memref<20x1024xi32, #tpu.memory_space<vmem>>)
      tpu.yield
    }) : () -> ()
    %scan3A = arith.constant 0 : i32
    %scan3A_1 = arith.constant 0 : i32
    %scan3A_2 = arith.constant 20 : i32
    %scan3A_3 = arith.addi %scan3A_1, %scan3A_2 : i32
    %scan3A_4 = arith.constant 1 : i32
    scf.for %scan3A_18 = %scan3A_1 to %scan3A_3 step %scan3A_4  : i32 {
      %dma_start3A = arith.constant 0 : i32
      %dma_start3A_19 = tpu.memref_slice %arg6[%scan3A_18, %dma_start3A] : memref<20x1024xf32, #tpu.memory_space<vmem>> -> memref<1x128xf32, #tpu.memory_space<vmem>>
      %dma_start3A_20 = tpu.memref_squeeze %dma_start3A_19 : memref<1x128xf32, #tpu.memory_space<vmem>> -> memref<128xf32, #tpu.memory_space<vmem>>
      %dma_start3A_21 = arith.constant 0 : i32
      %dma_start3A_22 = tpu.memref_slice %arg5[%scan3A_18, %dma_start3A_21] : memref<20x1024xi32, #tpu.memory_space<vmem>> -> memref<1x128xi32, #tpu.memory_space<vmem>>
      %dma_start3A_23 = tpu.memref_squeeze %dma_start3A_22 : memref<1x128xi32, #tpu.memory_space<vmem>> -> memref<128xi32, #tpu.memory_space<vmem>>
      %dma_start3A_24 = arith.constant 0 : i32
      %dma_start3A_25 = tpu.memref_slice %arg3[%add3A, %dma_start3A_24] : memref<32x100000xf32, #tpu.memory_space<hbm>> -> memref<1x100000xf32, #tpu.memory_space<hbm>>
      %dma_start3A_26 = tpu.memref_squeeze %dma_start3A_25 : memref<1x100000xf32, #tpu.memory_space<hbm>> -> memref<100000xf32, #tpu.memory_space<hbm>>
      %dma_start3A_27 = arith.constant 0 : i32
      %dma_start3A_28 = tpu.memref_slice %dma_start3A_26[%dma_start3A_27] : memref<100000xf32, #tpu.memory_space<hbm>> -> memref<100000xf32, #tpu.memory_space<hbm>>
      tpu.enqueue_indirect_dma source(%dma_start3A_28 : memref<100000xf32, #tpu.memory_space<hbm>>) target(%dma_start3A_20 : memref<128xf32, #tpu.memory_space<vmem>>) offsets(%dma_start3A_23 : memref<128xi32, #tpu.memory_space<vmem>>) semaphore(%arg8 : memref<!tpu.dma_semaphore, #tpu.memory_space<semaphore_mem>>)
      %dma_start3A_29 = arith.constant 128 : i32
      %dma_start3A_30 = tpu.memref_slice %arg6[%scan3A_18, %dma_start3A_29] : memref<20x1024xf32, #tpu.memory_space<vmem>> -> memref<1x128xf32, #tpu.memory_space<vmem>>
      %dma_start3A_31 = tpu.memref_squeeze %dma_start3A_30 : memref<1x128xf32, #tpu.memory_space<vmem>> -> memref<128xf32, #tpu.memory_space<vmem>>
      %dma_start3A_32 = arith.constant 128 : i32
      %dma_start3A_33 = tpu.memref_slice %arg5[%scan3A_18, %dma_start3A_32] : memref<20x1024xi32, #tpu.memory_space<vmem>> -> memref<1x128xi32, #tpu.memory_space<vmem>>
      %dma_start3A_34 = tpu.memref_squeeze %dma_start3A_33 : memref<1x128xi32, #tpu.memory_space<vmem>> -> memref<128xi32, #tpu.memory_space<vmem>>
      %dma_start3A_35 = arith.constant 0 : i32
      %dma_start3A_36 = tpu.memref_slice %arg3[%add3A, %dma_start3A_35] : memref<32x100000xf32, #tpu.memory_space<hbm>> -> memref<1x100000xf32, #tpu.memory_space<hbm>>
      %dma_start3A_37 = tpu.memref_squeeze %dma_start3A_36 : memref<1x100000xf32, #tpu.memory_space<hbm>> -> memref<100000xf32, #tpu.memory_space<hbm>>
      %dma_start3A_38 = arith.constant 0 : i32
      %dma_start3A_39 = tpu.memref_slice %dma_start3A_37[%dma_start3A_38] : memref<100000xf32, #tpu.memory_space<hbm>> -> memref<100000xf32, #tpu.memory_space<hbm>>
      tpu.enqueue_indirect_dma source(%dma_start3A_39 : memref<100000xf32, #tpu.memory_space<hbm>>) target(%dma_start3A_31 : memref<128xf32, #tpu.memory_space<vmem>>) offsets(%dma_start3A_34 : memref<128xi32, #tpu.memory_space<vmem>>) semaphore(%arg8 : memref<!tpu.dma_semaphore, #tpu.memory_space<semaphore_mem>>)
      %dma_start3A_40 = arith.constant 256 : i32
      %dma_start3A_41 = tpu.memref_slice %arg6[%scan3A_18, %dma_start3A_40] : memref<20x1024xf32, #tpu.memory_space<vmem>> -> memref<1x128xf32, #tpu.memory_space<vmem>>
      %dma_start3A_42 = tpu.memref_squeeze %dma_start3A_41 : memref<1x128xf32, #tpu.memory_space<vmem>> -> memref<128xf32, #tpu.memory_space<vmem>>
      %dma_start3A_43 = arith.constant 256 : i32
      %dma_start3A_44 = tpu.memref_slice %arg5[%scan3A_18, %dma_start3A_43] : memref<20x1024xi32, #tpu.memory_space<vmem>> -> memref<1x128xi32, #tpu.memory_space<vmem>>
      %dma_start3A_45 = tpu.memref_squeeze %dma_start3A_44 : memref<1x128xi32, #tpu.memory_space<vmem>> -> memref<128xi32, #tpu.memory_space<vmem>>
      %dma_start3A_46 = arith.constant 0 : i32
      %dma_start3A_47 = tpu.memref_slice %arg3[%add3A, %dma_start3A_46] : memref<32x100000xf32, #tpu.memory_space<hbm>> -> memref<1x100000xf32, #tpu.memory_space<hbm>>
      %dma_start3A_48 = tpu.memref_squeeze %dma_start3A_47 : memref<1x100000xf32, #tpu.memory_space<hbm>> -> memref<100000xf32, #tpu.memory_space<hbm>>
      %dma_start3A_49 = arith.constant 0 : i32
      %dma_start3A_50 = tpu.memref_slice %dma_start3A_48[%dma_start3A_49] : memref<100000xf32, #tpu.memory_space<hbm>> -> memref<100000xf32, #tpu.memory_space<hbm>>
      tpu.enqueue_indirect_dma source(%dma_start3A_50 : memref<100000xf32, #tpu.memory_space<hbm>>) target(%dma_start3A_42 : memref<128xf32, #tpu.memory_space<vmem>>) offsets(%dma_start3A_45 : memref<128xi32, #tpu.memory_space<vmem>>) semaphore(%arg8 : memref<!tpu.dma_semaphore, #tpu.memory_space<semaphore_mem>>)
      %dma_start3A_51 = arith.constant 384 : i32
      %dma_start3A_52 = tpu.memref_slice %arg6[%scan3A_18, %dma_start3A_51] : memref<20x1024xf32, #tpu.memory_space<vmem>> -> memref<1x128xf32, #tpu.memory_space<vmem>>
      %dma_start3A_53 = tpu.memref_squeeze %dma_start3A_52 : memref<1x128xf32, #tpu.memory_space<vmem>> -> memref<128xf32, #tpu.memory_space<vmem>>
      %dma_start3A_54 = arith.constant 384 : i32
      %dma_start3A_55 = tpu.memref_slice %arg5[%scan3A_18, %dma_start3A_54] : memref<20x1024xi32, #tpu.memory_space<vmem>> -> memref<1x128xi32, #tpu.memory_space<vmem>>
      %dma_start3A_56 = tpu.memref_squeeze %dma_start3A_55 : memref<1x128xi32, #tpu.memory_space<vmem>> -> memref<128xi32, #tpu.memory_space<vmem>>
      %dma_start3A_57 = arith.constant 0 : i32
      %dma_start3A_58 = tpu.memref_slice %arg3[%add3A, %dma_start3A_57] : memref<32x100000xf32, #tpu.memory_space<hbm>> -> memref<1x100000xf32, #tpu.memory_space<hbm>>
      %dma_start3A_59 = tpu.memref_squeeze %dma_start3A_58 : memref<1x100000xf32, #tpu.memory_space<hbm>> -> memref<100000xf32, #tpu.memory_space<hbm>>
      %dma_start3A_60 = arith.constant 0 : i32
      %dma_start3A_61 = tpu.memref_slice %dma_start3A_59[%dma_start3A_60] : memref<100000xf32, #tpu.memory_space<hbm>> -> memref<100000xf32, #tpu.memory_space<hbm>>
      tpu.enqueue_indirect_dma source(%dma_start3A_61 : memref<100000xf32, #tpu.memory_space<hbm>>) target(%dma_start3A_53 : memref<128xf32, #tpu.memory_space<vmem>>) offsets(%dma_start3A_56 : memref<128xi32, #tpu.memory_space<vmem>>) semaphore(%arg8 : memref<!tpu.dma_semaphore, #tpu.memory_space<semaphore_mem>>)
      %dma_start3A_62 = arith.constant 512 : i32
      %dma_start3A_63 = tpu.memref_slice %arg6[%scan3A_18, %dma_start3A_62] : memref<20x1024xf32, #tpu.memory_space<vmem>> -> memref<1x128xf32, #tpu.memory_space<vmem>>
      %dma_start3A_64 = tpu.memref_squeeze %dma_start3A_63 : memref<1x128xf32, #tpu.memory_space<vmem>> -> memref<128xf32, #tpu.memory_space<vmem>>
      %dma_start3A_65 = arith.constant 512 : i32
      %dma_start3A_66 = tpu.memref_slice %arg5[%scan3A_18, %dma_start3A_65] : memref<20x1024xi32, #tpu.memory_space<vmem>> -> memref<1x128xi32, #tpu.memory_space<vmem>>
      %dma_start3A_67 = tpu.memref_squeeze %dma_start3A_66 : memref<1x128xi32, #tpu.memory_space<vmem>> -> memref<128xi32, #tpu.memory_space<vmem>>
      %dma_start3A_68 = arith.constant 0 : i32
      %dma_start3A_69 = tpu.memref_slice %arg3[%add3A, %dma_start3A_68] : memref<32x100000xf32, #tpu.memory_space<hbm>> -> memref<1x100000xf32, #tpu.memory_space<hbm>>
      %dma_start3A_70 = tpu.memref_squeeze %dma_start3A_69 : memref<1x100000xf32, #tpu.memory_space<hbm>> -> memref<100000xf32, #tpu.memory_space<hbm>>
      %dma_start3A_71 = arith.constant 0 : i32
      %dma_start3A_72 = tpu.memref_slice %dma_start3A_70[%dma_start3A_71] : memref<100000xf32, #tpu.memory_space<hbm>> -> memref<100000xf32, #tpu.memory_space<hbm>>
      tpu.enqueue_indirect_dma source(%dma_start3A_72 : memref<100000xf32, #tpu.memory_space<hbm>>) target(%dma_start3A_64 : memref<128xf32, #tpu.memory_space<vmem>>) offsets(%dma_start3A_67 : memref<128xi32, #tpu.memory_space<vmem>>) semaphore(%arg8 : memref<!tpu.dma_semaphore, #tpu.memory_space<semaphore_mem>>)
      %dma_start3A_73 = arith.constant 640 : i32
      %dma_start3A_74 = tpu.memref_slice %arg6[%scan3A_18, %dma_start3A_73] : memref<20x1024xf32, #tpu.memory_space<vmem>> -> memref<1x128xf32, #tpu.memory_space<vmem>>
      %dma_start3A_75 = tpu.memref_squeeze %dma_start3A_74 : memref<1x128xf32, #tpu.memory_space<vmem>> -> memref<128xf32, #tpu.memory_space<vmem>>
      %dma_start3A_76 = arith.constant 640 : i32
      %dma_start3A_77 = tpu.memref_slice %arg5[%scan3A_18, %dma_start3A_76] : memref<20x1024xi32, #tpu.memory_space<vmem>> -> memref<1x128xi32, #tpu.memory_space<vmem>>
      %dma_start3A_78 = tpu.memref_squeeze %dma_start3A_77 : memref<1x128xi32, #tpu.memory_space<vmem>> -> memref<128xi32, #tpu.memory_space<vmem>>
      %dma_start3A_79 = arith.constant 0 : i32
      %dma_start3A_80 = tpu.memref_slice %arg3[%add3A, %dma_start3A_79] : memref<32x100000xf32, #tpu.memory_space<hbm>> -> memref<1x100000xf32, #tpu.memory_space<hbm>>
      %dma_start3A_81 = tpu.memref_squeeze %dma_start3A_80 : memref<1x100000xf32, #tpu.memory_space<hbm>> -> memref<100000xf32, #tpu.memory_space<hbm>>
      %dma_start3A_82 = arith.constant 0 : i32
      %dma_start3A_83 = tpu.memref_slice %dma_start3A_81[%dma_start3A_82] : memref<100000xf32, #tpu.memory_space<hbm>> -> memref<100000xf32, #tpu.memory_space<hbm>>
      tpu.enqueue_indirect_dma source(%dma_start3A_83 : memref<100000xf32, #tpu.memory_space<hbm>>) target(%dma_start3A_75 : memref<128xf32, #tpu.memory_space<vmem>>) offsets(%dma_start3A_78 : memref<128xi32, #tpu.memory_space<vmem>>) semaphore(%arg8 : memref<!tpu.dma_semaphore, #tpu.memory_space<semaphore_mem>>)
      %dma_start3A_84 = arith.constant 768 : i32
      %dma_start3A_85 = tpu.memref_slice %arg6[%scan3A_18, %dma_start3A_84] : memref<20x1024xf32, #tpu.memory_space<vmem>> -> memref<1x128xf32, #tpu.memory_space<vmem>>
      %dma_start3A_86 = tpu.memref_squeeze %dma_start3A_85 : memref<1x128xf32, #tpu.memory_space<vmem>> -> memref<128xf32, #tpu.memory_space<vmem>>
      %dma_start3A_87 = arith.constant 768 : i32
      %dma_start3A_88 = tpu.memref_slice %arg5[%scan3A_18, %dma_start3A_87] : memref<20x1024xi32, #tpu.memory_space<vmem>> -> memref<1x128xi32, #tpu.memory_space<vmem>>
      %dma_start3A_89 = tpu.memref_squeeze %dma_start3A_88 : memref<1x128xi32, #tpu.memory_space<vmem>> -> memref<128xi32, #tpu.memory_space<vmem>>
      %dma_start3A_90 = arith.constant 0 : i32
      %dma_start3A_91 = tpu.memref_slice %arg3[%add3A, %dma_start3A_90] : memref<32x100000xf32, #tpu.memory_space<hbm>> -> memref<1x100000xf32, #tpu.memory_space<hbm>>
      %dma_start3A_92 = tpu.memref_squeeze %dma_start3A_91 : memref<1x100000xf32, #tpu.memory_space<hbm>> -> memref<100000xf32, #tpu.memory_space<hbm>>
      %dma_start3A_93 = arith.constant 0 : i32
      %dma_start3A_94 = tpu.memref_slice %dma_start3A_92[%dma_start3A_93] : memref<100000xf32, #tpu.memory_space<hbm>> -> memref<100000xf32, #tpu.memory_space<hbm>>
      tpu.enqueue_indirect_dma source(%dma_start3A_94 : memref<100000xf32, #tpu.memory_space<hbm>>) target(%dma_start3A_86 : memref<128xf32, #tpu.memory_space<vmem>>) offsets(%dma_start3A_89 : memref<128xi32, #tpu.memory_space<vmem>>) semaphore(%arg8 : memref<!tpu.dma_semaphore, #tpu.memory_space<semaphore_mem>>)
      %dma_start3A_95 = arith.constant 896 : i32
      %dma_start3A_96 = tpu.memref_slice %arg6[%scan3A_18, %dma_start3A_95] : memref<20x1024xf32, #tpu.memory_space<vmem>> -> memref<1x128xf32, #tpu.memory_space<vmem>>
      %dma_start3A_97 = tpu.memref_squeeze %dma_start3A_96 : memref<1x128xf32, #tpu.memory_space<vmem>> -> memref<128xf32, #tpu.memory_space<vmem>>
      %dma_start3A_98 = arith.constant 896 : i32
      %dma_start3A_99 = tpu.memref_slice %arg5[%scan3A_18, %dma_start3A_98] : memref<20x1024xi32, #tpu.memory_space<vmem>> -> memref<1x128xi32, #tpu.memory_space<vmem>>
      %dma_start3A_100 = tpu.memref_squeeze %dma_start3A_99 : memref<1x128xi32, #tpu.memory_space<vmem>> -> memref<128xi32, #tpu.memory_space<vmem>>
      %dma_start3A_101 = arith.constant 0 : i32
      %dma_start3A_102 = tpu.memref_slice %arg3[%add3A, %dma_start3A_101] : memref<32x100000xf32, #tpu.memory_space<hbm>> -> memref<1x100000xf32, #tpu.memory_space<hbm>>
      %dma_start3A_103 = tpu.memref_squeeze %dma_start3A_102 : memref<1x100000xf32, #tpu.memory_space<hbm>> -> memref<100000xf32, #tpu.memory_space<hbm>>
      %dma_start3A_104 = arith.constant 0 : i32
      %dma_start3A_105 = tpu.memref_slice %dma_start3A_103[%dma_start3A_104] : memref<100000xf32, #tpu.memory_space<hbm>> -> memref<100000xf32, #tpu.memory_space<hbm>>
      tpu.enqueue_indirect_dma source(%dma_start3A_105 : memref<100000xf32, #tpu.memory_space<hbm>>) target(%dma_start3A_97 : memref<128xf32, #tpu.memory_space<vmem>>) offsets(%dma_start3A_100 : memref<128xi32, #tpu.memory_space<vmem>>) semaphore(%arg8 : memref<!tpu.dma_semaphore, #tpu.memory_space<semaphore_mem>>)
    }
    %scan3A_5 = arith.constant 20 : i32
    %dma_wait3A = arith.constant 0 : i32
    %dma_wait3A_6 = arith.constant 0 : i32
    %dma_wait3A_7 = tpu.memref_slice %arg3[%dma_wait3A, %dma_wait3A_6] : memref<32x100000xf32, #tpu.memory_space<hbm>> -> memref<20x1024xf32, #tpu.memory_space<hbm>>
    %dma_wait3A_8 = arith.constant 0 : i32
    %dma_wait3A_9 = arith.constant 0 : i32
    %dma_wait3A_10 = tpu.memref_slice %arg3[%dma_wait3A_8, %dma_wait3A_9] : memref<32x100000xf32, #tpu.memory_space<hbm>> -> memref<20x1024xf32, #tpu.memory_space<hbm>>
    tpu.wait_dma2 semaphore(%arg8 : memref<!tpu.dma_semaphore, #tpu.memory_space<semaphore_mem>>) src(%dma_wait3A_10 : memref<20x1024xf32, #tpu.memory_space<hbm>>) dst(%arg6 : memref<20x1024xf32, #tpu.memory_space<vmem>>)
    %scan3A_11 = arith.constant 0 : i32
    %scan3A_12 = arith.constant 5.000000e-02 : f32
    %scan3A_13 = arith.constant 0 : i32
    %scan3A_14 = arith.constant 64 : i32
    %scan3A_15 = arith.addi %scan3A_13, %scan3A_14 : i32
    %scan3A_16 = arith.constant 1 : i32
    scf.for %scan3A_18 = %scan3A_13 to %scan3A_15 step %scan3A_16  : i32 {
      %mul3A_19 = arith.constant 16 : i32
      %mul3A_20 = arith.muli %scan3A_18, %mul3A_19 : i32
      %broadcast_in_dim3A = arith.constant 0.000000e+00 : f32
      %broadcast_in_dim3A_21 = vector.broadcast %broadcast_in_dim3A : f32 to vector<16xf32>
      %get3A = arith.constant 0 : i32
      %get3A_22 = arith.index_cast %get3A : i32 to index
      %get3A_23 = arith.index_cast %mul3A_20 : i32 to index
      %get3A_24 = tpu.vector_load %arg6[%get3A_22, %get3A_23] {strides = array<i32>} : memref<20x1024xf32, #tpu.memory_space<vmem>>, vector<1x16xf32>,
      %get3A_25 = vector.shape_cast %get3A_24 : vector<1x16xf32> to vector<16xf32>
      %add3A_26 = arith.addf %broadcast_in_dim3A_21, %get3A_25 : vector<16xf32>
      %get3A_27 = arith.constant 1 : i32
      %get3A_28 = arith.index_cast %get3A_27 : i32 to index
      %get3A_29 = arith.index_cast %mul3A_20 : i32 to index
      %get3A_30 = tpu.vector_load %arg6[%get3A_28, %get3A_29] {strides = array<i32>} : memref<20x1024xf32, #tpu.memory_space<vmem>>, vector<1x16xf32>,
      %get3A_31 = vector.shape_cast %get3A_30 : vector<1x16xf32> to vector<16xf32>
      %add3A_32 = arith.addf %add3A_26, %get3A_31 : vector<16xf32>
      %get3A_33 = arith.constant 2 : i32
      %get3A_34 = arith.index_cast %get3A_33 : i32 to index
      %get3A_35 = arith.index_cast %mul3A_20 : i32 to index
      %get3A_36 = tpu.vector_load %arg6[%get3A_34, %get3A_35] {strides = array<i32>} : memref<20x1024xf32, #tpu.memory_space<vmem>>, vector<1x16xf32>,
      %get3A_37 = vector.shape_cast %get3A_36 : vector<1x16xf32> to vector<16xf32>
      %add3A_38 = arith.addf %add3A_32, %get3A_37 : vector<16xf32>
      %get3A_39 = arith.constant 3 : i32
      %get3A_40 = arith.index_cast %get3A_39 : i32 to index
      %get3A_41 = arith.index_cast %mul3A_20 : i32 to index
      %get3A_42 = tpu.vector_load %arg6[%get3A_40, %get3A_41] {strides = array<i32>} : memref<20x1024xf32, #tpu.memory_space<vmem>>, vector<1x16xf32>,
      %get3A_43 = vector.shape_cast %get3A_42 : vector<1x16xf32> to vector<16xf32>
      %add3A_44 = arith.addf %add3A_38, %get3A_43 : vector<16xf32>
      %get3A_45 = arith.constant 4 : i32
      %get3A_46 = arith.index_cast %get3A_45 : i32 to index
      %get3A_47 = arith.index_cast %mul3A_20 : i32 to index
      %get3A_48 = tpu.vector_load %arg6[%get3A_46, %get3A_47] {strides = array<i32>} : memref<20x1024xf32, #tpu.memory_space<vmem>>, vector<1x16xf32>,
      %get3A_49 = vector.shape_cast %get3A_48 : vector<1x16xf32> to vector<16xf32>
      %add3A_50 = arith.addf %add3A_44, %get3A_49 : vector<16xf32>
      %get3A_51 = arith.constant 5 : i32
      %get3A_52 = arith.index_cast %get3A_51 : i32 to index
      %get3A_53 = arith.index_cast %mul3A_20 : i32 to index
      %get3A_54 = tpu.vector_load %arg6[%get3A_52, %get3A_53] {strides = array<i32>} : memref<20x1024xf32, #tpu.memory_space<vmem>>, vector<1x16xf32>,
      %get3A_55 = vector.shape_cast %get3A_54 : vector<1x16xf32> to vector<16xf32>
      %add3A_56 = arith.addf %add3A_50, %get3A_55 : vector<16xf32>
      %get3A_57 = arith.constant 6 : i32
      %get3A_58 = arith.index_cast %get3A_57 : i32 to index
      %get3A_59 = arith.index_cast %mul3A_20 : i32 to index
      %get3A_60 = tpu.vector_load %arg6[%get3A_58, %get3A_59] {strides = array<i32>} : memref<20x1024xf32, #tpu.memory_space<vmem>>, vector<1x16xf32>,
      %get3A_61 = vector.shape_cast %get3A_60 : vector<1x16xf32> to vector<16xf32>
      %add3A_62 = arith.addf %add3A_56, %get3A_61 : vector<16xf32>
      %get3A_63 = arith.constant 7 : i32
      %get3A_64 = arith.index_cast %get3A_63 : i32 to index
      %get3A_65 = arith.index_cast %mul3A_20 : i32 to index
      %get3A_66 = tpu.vector_load %arg6[%get3A_64, %get3A_65] {strides = array<i32>} : memref<20x1024xf32, #tpu.memory_space<vmem>>, vector<1x16xf32>,
      %get3A_67 = vector.shape_cast %get3A_66 : vector<1x16xf32> to vector<16xf32>
      %add3A_68 = arith.addf %add3A_62, %get3A_67 : vector<16xf32>
      %get3A_69 = arith.constant 8 : i32
      %get3A_70 = arith.index_cast %get3A_69 : i32 to index
      %get3A_71 = arith.index_cast %mul3A_20 : i32 to index
      %get3A_72 = tpu.vector_load %arg6[%get3A_70, %get3A_71] {strides = array<i32>} : memref<20x1024xf32, #tpu.memory_space<vmem>>, vector<1x16xf32>,
      %get3A_73 = vector.shape_cast %get3A_72 : vector<1x16xf32> to vector<16xf32>
      %add3A_74 = arith.addf %add3A_68, %get3A_73 : vector<16xf32>
      %get3A_75 = arith.constant 9 : i32
      %get3A_76 = arith.index_cast %get3A_75 : i32 to index
      %get3A_77 = arith.index_cast %mul3A_20 : i32 to index
      %get3A_78 = tpu.vector_load %arg6[%get3A_76, %get3A_77] {strides = array<i32>} : memref<20x1024xf32, #tpu.memory_space<vmem>>, vector<1x16xf32>,
      %get3A_79 = vector.shape_cast %get3A_78 : vector<1x16xf32> to vector<16xf32>
      %add3A_80 = arith.addf %add3A_74, %get3A_79 : vector<16xf32>
      %get3A_81 = arith.constant 10 : i32
      %get3A_82 = arith.index_cast %get3A_81 : i32 to index
      %get3A_83 = arith.index_cast %mul3A_20 : i32 to index
      %get3A_84 = tpu.vector_load %arg6[%get3A_82, %get3A_83] {strides = array<i32>} : memref<20x1024xf32, #tpu.memory_space<vmem>>, vector<1x16xf32>,
      %get3A_85 = vector.shape_cast %get3A_84 : vector<1x16xf32> to vector<16xf32>
      %add3A_86 = arith.addf %add3A_80, %get3A_85 : vector<16xf32>
      %get3A_87 = arith.constant 11 : i32
      %get3A_88 = arith.index_cast %get3A_87 : i32 to index
      %get3A_89 = arith.index_cast %mul3A_20 : i32 to index
      %get3A_90 = tpu.vector_load %arg6[%get3A_88, %get3A_89] {strides = array<i32>} : memref<20x1024xf32, #tpu.memory_space<vmem>>, vector<1x16xf32>,
      %get3A_91 = vector.shape_cast %get3A_90 : vector<1x16xf32> to vector<16xf32>
      %add3A_92 = arith.addf %add3A_86, %get3A_91 : vector<16xf32>
      %get3A_93 = arith.constant 12 : i32
      %get3A_94 = arith.index_cast %get3A_93 : i32 to index
      %get3A_95 = arith.index_cast %mul3A_20 : i32 to index
      %get3A_96 = tpu.vector_load %arg6[%get3A_94, %get3A_95] {strides = array<i32>} : memref<20x1024xf32, #tpu.memory_space<vmem>>, vector<1x16xf32>,
      %get3A_97 = vector.shape_cast %get3A_96 : vector<1x16xf32> to vector<16xf32>
      %add3A_98 = arith.addf %add3A_92, %get3A_97 : vector<16xf32>
      %get3A_99 = arith.constant 13 : i32
      %get3A_100 = arith.index_cast %get3A_99 : i32 to index
      %get3A_101 = arith.index_cast %mul3A_20 : i32 to index
      %get3A_102 = tpu.vector_load %arg6[%get3A_100, %get3A_101] {strides = array<i32>} : memref<20x1024xf32, #tpu.memory_space<vmem>>, vector<1x16xf32>,
      %get3A_103 = vector.shape_cast %get3A_102 : vector<1x16xf32> to vector<16xf32>
      %add3A_104 = arith.addf %add3A_98, %get3A_103 : vector<16xf32>
      %get3A_105 = arith.constant 14 : i32
      %get3A_106 = arith.index_cast %get3A_105 : i32 to index
      %get3A_107 = arith.index_cast %mul3A_20 : i32 to index
      %get3A_108 = tpu.vector_load %arg6[%get3A_106, %get3A_107] {strides = array<i32>} : memref<20x1024xf32, #tpu.memory_space<vmem>>, vector<1x16xf32>,
      %get3A_109 = vector.shape_cast %get3A_108 : vector<1x16xf32> to vector<16xf32>
      %add3A_110 = arith.addf %add3A_104, %get3A_109 : vector<16xf32>
      %get3A_111 = arith.constant 15 : i32
      %get3A_112 = arith.index_cast %get3A_111 : i32 to index
      %get3A_113 = arith.index_cast %mul3A_20 : i32 to index
      %get3A_114 = tpu.vector_load %arg6[%get3A_112, %get3A_113] {strides = array<i32>} : memref<20x1024xf32, #tpu.memory_space<vmem>>, vector<1x16xf32>,
      %get3A_115 = vector.shape_cast %get3A_114 : vector<1x16xf32> to vector<16xf32>
      %add3A_116 = arith.addf %add3A_110, %get3A_115 : vector<16xf32>
      %get3A_117 = arith.constant 16 : i32
      %get3A_118 = arith.index_cast %get3A_117 : i32 to index
      %get3A_119 = arith.index_cast %mul3A_20 : i32 to index
      %get3A_120 = tpu.vector_load %arg6[%get3A_118, %get3A_119] {strides = array<i32>} : memref<20x1024xf32, #tpu.memory_space<vmem>>, vector<1x16xf32>,
      %get3A_121 = vector.shape_cast %get3A_120 : vector<1x16xf32> to vector<16xf32>
      %add3A_122 = arith.addf %add3A_116, %get3A_121 : vector<16xf32>
      %get3A_123 = arith.constant 17 : i32
      %get3A_124 = arith.index_cast %get3A_123 : i32 to index
      %get3A_125 = arith.index_cast %mul3A_20 : i32 to index
      %get3A_126 = tpu.vector_load %arg6[%get3A_124, %get3A_125] {strides = array<i32>} : memref<20x1024xf32, #tpu.memory_space<vmem>>, vector<1x16xf32>,
      %get3A_127 = vector.shape_cast %get3A_126 : vector<1x16xf32> to vector<16xf32>
      %add3A_128 = arith.addf %add3A_122, %get3A_127 : vector<16xf32>
      %get3A_129 = arith.constant 18 : i32
      %get3A_130 = arith.index_cast %get3A_129 : i32 to index
      %get3A_131 = arith.index_cast %mul3A_20 : i32 to index
      %get3A_132 = tpu.vector_load %arg6[%get3A_130, %get3A_131] {strides = array<i32>} : memref<20x1024xf32, #tpu.memory_space<vmem>>, vector<1x16xf32>,
      %get3A_133 = vector.shape_cast %get3A_132 : vector<1x16xf32> to vector<16xf32>
      %add3A_134 = arith.addf %add3A_128, %get3A_133 : vector<16xf32>
      %get3A_135 = arith.constant 19 : i32
      %get3A_136 = arith.index_cast %get3A_135 : i32 to index
      %get3A_137 = arith.index_cast %mul3A_20 : i32 to index
      %get3A_138 = tpu.vector_load %arg6[%get3A_136, %get3A_137] {strides = array<i32>} : memref<20x1024xf32, #tpu.memory_space<vmem>>, vector<1x16xf32>,
      %get3A_139 = vector.shape_cast %get3A_138 : vector<1x16xf32> to vector<16xf32>
      %add3A_140 = arith.addf %add3A_134, %get3A_139 : vector<16xf32>
      %mul3A_141 = vector.broadcast %scan3A_12 : f32 to vector<16xf32>
      %mul3A_142 = arith.mulf %add3A_140, %mul3A_141 : vector<16xf32>
      %swap3A = arith.index_cast %mul3A_20 : i32 to index
      %swap3A_143 = tpu.vector_load %arg7[%swap3A] {strides = array<i32>} : memref<1024xf32, #tpu.memory_space<vmem>>, vector<16xf32>,
      %swap3A_144 = vector.shape_cast %swap3A_143 : vector<16xf32> to vector<16xf32>
      %swap3A_145 = vector.shape_cast %mul3A_142 : vector<16xf32> to vector<16xf32>
      tpu.vector_store %arg7[%swap3A], %swap3A_145 {strides = array<i32>} : memref<1024xf32, #tpu.memory_space<vmem>>, vector<16xf32>,
    }
    %scan3A_17 = arith.constant 64 : i32
    "tpu.region"() ({
      %run_scoped3A = tpu.sem_alloc : memref<!tpu.dma_semaphore, #tpu.memory_space<semaphore_mem>>
      %dma_start3A = arith.constant 0 : i32
      %dma_start3A_18 = tpu.memref_slice %arg4[%add3A, %dma_start3A] : memref<32x1024xf32, #tpu.memory_space<hbm>> -> memref<1x1024xf32, #tpu.memory_space<hbm>>
      %dma_start3A_19 = tpu.memref_squeeze %dma_start3A_18 : memref<1x1024xf32, #tpu.memory_space<hbm>> -> memref<1024xf32, #tpu.memory_space<hbm>>
      %dma_start3A_20 = arith.constant 0 : i32
      %dma_start3A_21 = tpu.memref_slice %arg4[%add3A, %dma_start3A_20] : memref<32x1024xf32, #tpu.memory_space<hbm>> -> memref<1x1024xf32, #tpu.memory_space<hbm>>
      %dma_start3A_22 = tpu.memref_squeeze %dma_start3A_21 : memref<1x1024xf32, #tpu.memory_space<hbm>> -> memref<1024xf32, #tpu.memory_space<hbm>>
      tpu.enqueue_dma source(%arg7 : memref<1024xf32, #tpu.memory_space<vmem>>) target(%dma_start3A_22 : memref<1024xf32, #tpu.memory_space<hbm>>) target_semaphore(%run_scoped3A : memref<!tpu.dma_semaphore, #tpu.memory_space<semaphore_mem>>)
      %dma_wait3A_23 = arith.constant 0 : i32
      %dma_wait3A_24 = tpu.memref_slice %arg4[%add3A, %dma_wait3A_23] : memref<32x1024xf32, #tpu.memory_space<hbm>> -> memref<1x1024xf32, #tpu.memory_space<hbm>>
      %dma_wait3A_25 = tpu.memref_squeeze %dma_wait3A_24 : memref<1x1024xf32, #tpu.memory_space<hbm>> -> memref<1024xf32, #tpu.memory_space<hbm>>
      %dma_wait3A_26 = arith.constant 0 : i32
      %dma_wait3A_27 = tpu.memref_slice %arg4[%add3A, %dma_wait3A_26] : memref<32x1024xf32, #tpu.memory_space<hbm>> -> memref<1x1024xf32, #tpu.memory_space<hbm>>
      %dma_wait3A_28 = tpu.memref_squeeze %dma_wait3A_27 : memref<1x1024xf32, #tpu.memory_space<hbm>> -> memref<1024xf32, #tpu.memory_space<hbm>>
      tpu.wait_dma2 semaphore(%run_scoped3A : memref<!tpu.dma_semaphore, #tpu.memory_space<semaphore_mem>>) src(%arg7 : memref<1024xf32, #tpu.memory_space<vmem>>) dst(%dma_wait3A_28 : memref<1024xf32, #tpu.memory_space<hbm>>)
      tpu.yield
    }) : () -> ()
    return
  }
}

module attributes {stable_mosaic.version = 14 : i64} {
  func.func @_matmul_body(%arg0: i32, %arg1: memref<32x1024xf32, #tpu.memory_space<vmem>>, %arg2: memref<32x2048xf32, #tpu.memory_space<vmem>>, %arg3: memref<1x2048xf32, #tpu.memory_space<vmem>>, %arg4: memref<2048x1024xf32, #tpu.memory_space<vmem>>) attributes {dimension_semantics = [#tpu.dimension_semantics<arbitrary>], iteration_bounds = array<i64: 49>, scalar_prefetch = 0 : i64, scratch_operands = 0 : i64, tpu.core_type = #tpu.core_type<tc>, window_params = [{pipeline_mode = #tpu.pipeline_mode<synchronous>, transform_indices = @transform_0, window_bounds = array<i64: 32, 1024>}, {transform_indices = @transform_1, window_bounds = array<i64: 32, 2048>}, {transform_indices = @transform_2, window_bounds = array<i64: 1, 2048>}, {transform_indices = @transform_3, window_bounds = array<i64: 2048, 1024>}]} {
    %get3A = arith.constant 0 : index
    %get3A_0 = arith.constant 0 : index
    %get3A_1 = vector.load %arg2[%get3A, %get3A_0] : memref<32x2048xf32, #tpu.memory_space<vmem>>, vector<32x2048xf32>
    %get3A_2 = arith.constant 0 : index
    %get3A_3 = arith.constant 0 : index
    %get3A_4 = vector.load %arg1[%get3A_2, %get3A_3] : memref<32x1024xf32, #tpu.memory_space<vmem>>, vector<32x1024xf32>
    %dot_general3A = arith.constant dense<0.000000e+00> : vector<2048x1024xf32>
    %dot_general3A_5 = tpu.matmul %get3A_1, %get3A_4, %dot_general3A {dimension_numbers = #tpu.dot_dimension_numbers<[0], [0], [1], [1], [0, 1, 1, 1], [], []>, transpose_lhs_hint = false} : vector<32x2048xf32>, vector<32x1024xf32>, vector<2048x1024xf32> -> vector<2048x1024xf32>
    %get3A_6 = arith.constant 0 : index
    %get3A_7 = arith.constant 0 : index
    %get3A_8 = vector.load %arg3[%get3A_6, %get3A_7] : memref<1x2048xf32, #tpu.memory_space<vmem>>, vector<1x2048xf32>
    %transpose3A = tpu.transpose %get3A_8, [1, 0] : vector<1x2048xf32> -> vector<2048x1xf32>
    %add3A = vector.broadcast %transpose3A : vector<2048x1xf32> to vector<2048x1024xf32>
    %add3A_9 = arith.addf %dot_general3A_5, %add3A : vector<2048x1024xf32>
    %swap3A = arith.constant 0 : index
    %swap3A_10 = arith.constant 0 : index
    %swap3A_11 = vector.load %arg4[%swap3A, %swap3A_10] : memref<2048x1024xf32, #tpu.memory_space<vmem>>, vector<2048x1024xf32>
    tpu.vector_store %arg4[%swap3A, %swap3A_10], %add3A_9 {strides = array<i32>} : memref<2048x1024xf32, #tpu.memory_space<vmem>>, vector<2048x1024xf32>,
    return
  }
  func.func @transform_0(%arg0: i32) -> (i32, i32) {
    %c0_i32 = arith.constant 0 : i32
    %c0_i32_0 = arith.constant 0 : i32
    %c0_i32_1 = arith.constant 0 : i32
    return %c0_i32, %c0_i32_0 : i32, i32
  }
  func.func @transform_1(%arg0: i32) -> (i32, i32) {
    %c0_i32 = arith.constant 0 : i32
    %c0_i32_0 = arith.constant 0 : i32
    return %c0_i32, %arg0 : i32, i32
  }
  func.func @transform_2(%arg0: i32) -> (i32, i32) {
    %c0_i32 = arith.constant 0 : i32
    %c0_i32_0 = arith.constant 0 : i32
    return %c0_i32, %arg0 : i32, i32
  }
  func.func @transform_3(%arg0: i32) -> (i32, i32) {
    %c0_i32 = arith.constant 0 : i32
    %c0_i32_0 = arith.constant 0 : i32
    return %arg0, %c0_i32 : i32, i32
  }
}

</mosaic_0001>

<sc_bundles>
// kernel: kernel.4.cloned.1.call-start
scs
__scs_entry_jumppad:
0x0: {  	(pc) =	sbr.rel $0x88, $3  }
0x1: {  	(tag) =	ssettag $0x0;
	lr =	simm.s32 $0x1  }
0x2: {  	[smem:$0x3F9D] =	sst lr;
	_ =	strace $0xD0000000  }
0x3: {  	_ = 	snop  }
0x4: {  	_ = 	snop  }
0x5: {  	_ = 	snop  }
0x6: {  	_ = 	snop  }
0x7: {  	_ = 	snop  }
__scs_overlays_trampoline_lowered:
0x8: {  	[smem:$0x3FAC] =	sst s0  }
0x9: {  	[smem:$0x3FAD] =	sst s1  }
0xa: {  	[smem:$0x3FAE] =	sst s2  }
0xb: {  	[smem:$0x3FAF] =	sst s3  }
0xc: {  	[smem:$0x3FB0] =	sst s4  }
0xd: {  	[smem:$0x3FB1] =	sst s5  }
0xe: {  	[smem:$0x3FB2] =	sst s6  }
0xf: {  	[smem:$0x3FB3] =	sst s7  }
0x10: {  	[smem:$0x3FB4] =	sst s8  }
0x11: {  	[smem:$0x3FB5] =	sst s9;
	s0 =	simm.s32 @!p0 $0x0  }
0x12: {  	s1 =	sld [smem:$0x3F9B];
	s0 =	simm.s32 @p0 $0x1  }
0x13: {  	[smem:$0x3FB6] =	sst s0;
	s0 =	simm.s32 @!p1 $0x0  }
0x14: {  	s2 =	sld [smem:$0x3F9A];
	s0 =	simm.s32 @p1 $0x1  }
0x15: {  	[smem:$0x3FB7] =	sst s0;
	s0 =	simm.s32 @!p2 $0x0  }
0x16: {  	s3 =	sld [smem:$0x3FDB];
	s0 =	simm.s32 @p2 $0x1  }
0x17: {  	s4 =	simm.s32 $0x1BF5;
	[smem:$0x3FB9] =	sst s0  }
0x18: {  	s0 =	sld [smem:$0x3F9C];
	_ =	swait.ge [sflag:s4], $0x0  }
0x19: {  	s7 =	sld [smem:$0x3F9D]  }
0x1a: {  	s8 =	sadd.s32 $0xFFFFE003, lr  }
0x1b: {  	s9 =	sadd.s32 $0xFFFFFEF7, lr;
	s5 =	simm.s32 $0xFFFFFFFF;
	p2 =	slt.u32 s8, $0xFFFFF086  }
0x1c: {  	p1 =	slt.u32 s9, $0xF7A;
	s5 =	simm.s32 @!p2 $0x0  }
0x1d: {  	s5 =	simm.s32 @p1 $0x1;
	p0 =	seq.s32 s7, s2  }
0x1e: {  	s7 =	smul.u32 @!p0 $0xF7A, s2;
	p2 =	seq.s32 @!p0 s5, $0x0  }
0x1f: {  	s9 =	smul.u32 $0xF7A, s1;
	s8 =	simm.s32 @!p0 $0x1BF5;
	p2 =	por !p2, p0  }
0x20: {  	[sflag:s8] =	ssyncset.s32 @!p0 $0xFFFFF086;
	s6 =	sadd.s32 @!p0 s3, s7;
	s7 =	simm.s32 @!p0 $0x108  }
0x21: {  	s3 =	sadd.s32 s3, s9;
	s6 =	sadd.s32 @!p0 $0x88, s6;
	s7 =	simm.s32 @p2 $0x1082  }
0x22: {  	[simem:s7], [sflag:s8] =	dma.local @!p0 [hbm:s6], $0xF7A  }
0x23: {  	s9 =	sor.u32 $0xD0000000, s2;
	s6 =	simm.s32 $0x108;
	_ =	swait.ge @!p0 [sflag:s8], $0x0  }
0x24: {  	s3 =	sadd.s32 $0x88, s3;
	s6 =	simm.s32 @!p1 $0x1082;
	[sflag:s4] =	ssyncset.s32 $0xFFFFF086  }
0x25: {  	[simem:s6], [sflag:s4] =	dma.local [hbm:s3], $0xF7A  }
0x26: {  	[smem:$0x3F9D] =	sst s1;
	(tag) =	ssettag s2;
	_ =	strace s9  }
0x27: {  	s1 =	sld [smem:$0x3FAD]  }
0x28: {  	s2 =	sld [smem:$0x3FAE]  }
0x29: {  	s4 =	sld [smem:$0x3FB0]  }
0x2a: {  	p0 =	seq.s32 s5, $0x0;
	s5 =	sld [smem:$0x3FB1]  }
0x2b: {  	s6 =	sld [smem:$0x3FB2]  }
0x2c: {  	s7 =	sld [smem:$0x3FB3]  }
0x2d: {  	s3 =	simm.s32 $0x108;
	s8 =	sld [smem:$0x3FB4]  }
0x2e: {  	s3 =	simm.s32 @!p0 $0x1082;
	s9 =	sld [smem:$0x3FB5]  }
0x2f: {  	lr =	sadd.s32 s0, s3;
	s0 =	sld [smem:$0x3FAC]  }
0x30: {  	s3 =	sld [smem:$0x3FAF]  }
0x31: {  	[smem:$0x3FB8] =	sst s10  }
0x32: {  	s10 =	sld [smem:$0x3FB6];
	_ =	sdelay $0x3  }
0x33: {  	p0 =	seq.s32 s10, $0x1;
	s10 =	sld [smem:$0x3FB8];
	_ =	sdelay $0x3  }
0x34: {  	[smem:$0x3FB8] =	sst s10  }
0x35: {  	s10 =	sld [smem:$0x3FB7];
	_ =	sdelay $0x3  }
0x36: {  	p1 =	seq.s32 s10, $0x1;
	s10 =	sld [smem:$0x3FB8];
	_ =	sdelay $0x3  }
0x37: {  	[smem:$0x3FB8] =	sst s10  }
0x38: {  	s10 =	sld [smem:$0x3FB9]  }
0x39: {  	_ = 	snop;
	(pc) =	sbr.ind lr, $3  }
0x3a: {  	_ = 	snop  }
0x3b: {  	_ = 	snop  }
0x3c: {  	p2 =	seq.s32 s10, $0x1;
	s10 =	sld [smem:$0x3FB8]  }
0x3d: {  	_ =	shalt  }
0x3e: {  	_ =	shalt  }
0x3f: {  	_ =	shalt  }
0x40: {  	_ =	shalt  }
0x41: {  	_ =	shalt  }
0x42: {  	_ =	shalt  }
0x43: {  	_ =	shalt  }
0x44: {  	_ =	shalt  }
0x45: {  	_ =	shalt  }
0x46: {  	_ =	shalt  }
0x47: {  	_ =	shalt  }
0x48: {  	_ =	shalt  }
0x49: {  	_ =	shalt  }
0x4a: {  	_ =	shalt  }
0x4b: {  	_ =	shalt  }
0x4c: {  	_ =	shalt  }
0x4d: {  	_ =	shalt  }
0x4e: {  	_ =	shalt  }
0x4f: {  	_ =	shalt  }
0x50: {  	_ =	shalt  }
0x51: {  	_ =	shalt  }
0x52: {  	_ =	shalt  }
0x53: {  	_ =	shalt  }
0x54: {  	_ =	shalt  }
0x55: {  	_ =	shalt  }
0x56: {  	_ =	shalt  }
0x57: {  	_ =	shalt  }
0x58: {  	_ =	shalt  }
0x59: {  	_ =	shalt  }
0x5a: {  	_ =	shalt  }
0x5b: {  	_ =	shalt  }
0x5c: {  	_ =	shalt  }
0x5d: {  	_ =	shalt  }
0x5e: {  	_ =	shalt  }
0x5f: {  	_ =	shalt  }
0x60: {  	_ =	shalt  }
0x61: {  	_ =	shalt  }
0x62: {  	_ =	shalt  }
0x63: {  	_ =	shalt  }
0x64: {  	_ =	shalt  }
0x65: {  	_ =	shalt  }
0x66: {  	_ =	shalt  }
0x67: {  	_ =	shalt  }
0x68: {  	_ =	shalt  }
0x69: {  	_ =	shalt  }
0x6a: {  	_ =	shalt  }
0x6b: {  	_ =	shalt  }
0x6c: {  	_ =	shalt  }
0x6d: {  	_ =	shalt  }
0x6e: {  	_ =	shalt  }
0x6f: {  	_ =	shalt  }
0x70: {  	_ =	shalt  }
0x71: {  	_ =	shalt  }
0x72: {  	_ =	shalt  }
0x73: {  	_ =	shalt  }
0x74: {  	_ =	shalt  }
0x75: {  	_ =	shalt  }
0x76: {  	_ =	shalt  }
0x77: {  	_ =	shalt  }
0x78: {  	_ =	shalt  }
0x79: {  	_ =	shalt  }
0x7a: {  	_ =	shalt  }
0x7b: {  	_ =	shalt  }
0x7c: {  	_ =	shalt  }
0x7d: {  	_ =	shalt  }
0x7e: {  	_ =	shalt  }
0x7f: {  	_ =	shalt  }
0x80: {  	_ =	shalt  }
0x81: {  	_ =	shalt  }
0x82: {  	_ =	shalt  }
0x83: {  	_ =	shalt  }
0x84: {  	_ =	shalt  }
0x85: {  	_ =	shalt  }
0x86: {  	_ =	shalt  }
0x87: {  	_ =	shalt  }
.Lfunc_end0:
.L_simem_size_0:
called_computation_lowered:
.L_overlay_start_0:
0x88: {  	s2 =	sld [smem:$0x3FD9]  }
0x89: {  	s3 =	sld [smem:$0x3FFE];
	_ =	sdelay $0x1  }
0x8a: {  	s1 =	srdreg.scid  }
0x8b: {  	s0 =	sand.u32 $0x1, s1  }
0x8c: {  	s17 =	sshll.u32 s0, $0xA;
	s2 =	sadd.s32 s3, s2  }
0x8d: {  	s2 =	sadd.s32 s2, s17  }
0x8e: {  	[smem:$0x3FC4] =	sst s2  }
0x8f: {  	_ = 	snop  }
0x90: {  	s2 =	sld [smem:$0x3FD0];
	(tm) =	ssettm $0x1  }
0x91: {  	s18 =	sld [smem:$0x3FFB];
	_ =	sdelay $0x3  }
0x92: {  	_ =	strace s18  }
0x93: {  	s3 =	sld [smem:$0x3FFC];
	_ =	sdelay $0x3  }
0x94: {  	_ =	strace s3  }
0x95: {  	s3 =	sld [smem:$0x3FFD];
	_ =	sdelay $0x3  }
0x96: {  	_ =	strace s3  }
0x97: {  	_ =	strace $0x8FFFFFFF  }
0x98: {  	s19 =	sld [smem:$0x3FDB];
	_ =	sdelay $0x1  }
0x99: {  	s4 =	simm.s32 $_scs_section_size  }
0x9a: {  	s5 =	simm.s32 $_size__tile_overlayer_lowered;
	s6 =	simm.s32 $_tile_overlayer_lowered  }
0x9b: {  	s22 =	simm.s32 $0x1BFF;
	s21 =	sshll.u32 s6, $0x1;
	s3 =	sadd.s32 s4, s19  }
0x9c: {  	s7 =	simm.s32 $0x0;
	s20 =	sshll.u32 s5, $0x1;
	s5 =	sadd.s32 s21, s3  }
0x9d: {  	[timem:s7], [sflag:s22] =	dma.local [hbm:s5], s20  }
0x9e: {  	_ =	swait.ge [sflag:s22], s20  }
0x9f: {  	s4 =	ssub.s32 $0x0, s20;
	[sflag:s22] =	ssyncset.done $0x0  }
0xa0: {  	[sflag:s22] =	ssyncadd.s32 s4;
	_ =	sdelay $0x1  }
0xa1: {  	s23 =	simm.s32 $0x1B8B  }
0xa2: {  	_ =	swait.ge [sflag:s23], $0x1  }
0xa3: {  	[sflag:s23] =	ssyncset.done $0x0  }
0xa4: {  	s25 =	simm.s32 $0x1B8E;
	s24 =	sld [smem:$0x3FFE];
	[sflag:s23] =	ssyncadd.s32 $0xFFFFFFFF  }
0xa5: {  	s26 =	simm.s32 $execute0_lowered;
	[smem:$0x3FD2] =	sst s25  }
0xa6: {  	s5 =	sshll.u32 s26, $0x1;
	_ =	strace $0x80000046;
	[dreg:$0x1] =	wrdreg $0xFFFFFFFF  }
0xa7: {  	s28 =	simm.s32 $_size_execute0_lowered;
	s3 =	sadd.s32 s3, s5;
	[dreg:$0x0] =	wrdreg $0x0  }
0xa8: {  	s5 =	sshll.u32 s28, $0x1;
	[dreg:$0x2] =	wrdreg s3  }
0xa9: {  	[dreg:$0x3] =	wrdreg s5  }
0xaa: {  	[dreg:$0x4] =	wrdreg $0xC0  }
0xab: {  	_ =	task [dreg:s7], $0x5FFFF  }
0xac: {  	[dreg:$0x1] =	wrdreg $0xFFFFFFFF  }
0xad: {  	[dreg:$0x0] =	wrdreg $0x60  }
0xae: {  	[dreg:$0x2] =	wrdreg s24  }
0xaf: {  	[dreg:$0x3] =	wrdreg s2  }
0xb0: {  	[dreg:$0x4] =	wrdreg $0x9  }
0xb1: {  	_ =	task.clear_ibuf [dreg:s7], $0x5FFFF;
	_ =	strace $0x90000046  }
0xb2: {  	s29 =	simm.s32 $0x9;
	_ =	strace $0x80000048  }
0xb3: {  	_ =	swait.ge [sflag:s29], $0x1  }
0xb4: {  	[sflag:s29] =	ssyncadd.s32 $0xFFFFFFFF  }
0xb5: {  	_ =	strace $0x90000048  }
0xb6: {  	_ =	sfence  }
0xb7: {  	s30 =	sld [smem:$0x0];
	_ =	sdelay $0x2  }
0xb8: {  	s31 =	sshll.u32 s1, $0xD;
	s1 =	sshrl.u32 s1, $0x2  }
0xb9: {  	s3 =	sand.u32 $0x4000, s31;
	s1 =	sadd.s32 s1, s30  }
0xba: {  	s0 =	sor.u32 s3, s0;
	s1 =	sshll.u32 s1, $0x11  }
0xbb: {  	s0 =	sor.u32 s1, s0  }
0xbc: {  	s0 =	sadd.s32 $0x8F2B, s0  }
0xbd: {  	[sflag:s0] =	ssyncadd.remote.s32 $0x1  }
0xbe: {  	_ =	sfence.sel $0xFFFF  }
0xbf: {  	[dreg:$0x0] =	wrdreg $0xFFFFFFFF;
	(pc) =	sbr.abs _section_cstart, $3  }
0xc0: {  	[dreg:$0x1] =	wrdreg $0xFFFFFFFF  }
0xc1: {  	_ =	task.clear_ibuf [dreg:s7], $0x2FFFF;
	_ =	strace $0x9FFFFFFF  }
0xc2: {  	(tm) =	ssettm $0x7FFFFFFF  }
0xc3: {  	_ =	shalt  }
tec
execute0_lowered:
.L_overlay_start_1:
0x0: {  	(tag) =	ssettag $0x1  }
0x1: {  	s4 =	rddreg [dreg:$0x0]  }
0x2: {  	s5 =	rddreg [dreg:$0x1]  }
0x3: {  	s0 =	rddreg [dreg:$0x2];
	s2 =	simm.s32 $0x0;
	s3 =	srdreg.scid  }
0x4: {  	s1 =	stileid.u32;
	s9 =	simm.s32 $0x1;
	s10 =	simm.s32 $0xA000  }
0x5: {  	[smem:$0x7FF] =	sst s2;
	s3 =	sand.u32 $0x1, s3;
	s6 =	sshll.u32 s1, $0x1  }
0x6: {  	s11 =	simm.s32 $0x0;
	_ =	strace $0x80000047;
	s6 =	sor.u32 s3, s6  }
0x7: {  	s8 =	ssub.s32 $0x2, s3;
	s7 =	sshll.u32 s6, $0x7;
	s6 =	smul.u32 $0x30D4, s6  }
0x8: {  	s3 =	sadd.s32 $0x1600, s4;
	s31 =	sshrl.u32 s8, $0x1;
	s7 =	sadd.s32 s7, s4  }
0x9: {  	s8 =	ssub.s32 s8, s31;
	s4 =	sadd.s32 s5, s6;
	s5 =	sadd.s32 $0x2000, s7  }
0xa: {  	s6 =	smax.u32 s8, $0x1;
	s7 =	simm.s32 $0x2;
	s8 =	simm.s32 $0x80  }
.LBB2_1:
0xb: {  	[tilespmem:s2], [sflag:$0x2] =	stream.linear.gather [hbm4b:s3+s2], $0x5000, $0x38;
	[tilespmem:$0xA400] =	vst v63  }
0xc: {  	_ =	swait.ge [sflag:s7], $0x5000  }
0xd: {  	[sflag:s7] =	ssyncset.done $0x0  }
0xe: {  	s12 =	simm.s32 $0x0;
	s13 =	simm.s32 $0x5000;
	[sflag:s7] =	ssyncadd.s32 $0xFFFFB000  }
0xf: {  	[tilespmem:s13], [sflag:$0x1] =	stream.indirect.gather [hbm4b:s4+s8], $0x1, s12, s8, $0xb8;
	[tilespmem:$0xA400] =	vst v63  }
0x10: {  	s19 =	simm.s32 $0x5080;
	s20 =	simm.s32 $0x80  }
0x11: {  	[tilespmem:s19], [sflag:$0x1] =	stream.indirect.gather [hbm4b:s4+s8], $0x1, s20, s8, $0xb8;
	[tilespmem:$0xA400] =	vst v63  }
0x12: {  	s21 =	simm.s32 $0x5100;
	s22 =	simm.s32 $0x100  }
0x13: {  	[tilespmem:s21], [sflag:$0x1] =	stream.indirect.gather [hbm4b:s4+s8], $0x1, s22, s8, $0xb8;
	[tilespmem:$0xA400] =	vst v63  }
0x14: {  	s23 =	simm.s32 $0x5180;
	s24 =	simm.s32 $0x180;
	s25 =	simm.s32 $0x5200  }
0x15: {  	[tilespmem:s23], [sflag:$0x1] =	stream.indirect.gather [hbm4b:s4+s8], $0x1, s24, s8, $0xb8;
	[tilespmem:$0xA400] =	vst v63  }
0x16: {  	s26 =	simm.s32 $0x200;
	s28 =	simm.s32 $0x5280;
	s29 =	simm.s32 $0x280  }
0x17: {  	[tilespmem:s25], [sflag:$0x1] =	stream.indirect.gather [hbm4b:s4+s8], $0x1, s26, s8, $0xb8;
	[tilespmem:$0xA400] =	vst v63  }
0x18: {  	s30 =	simm.s32 $0x5300;
	s31 =	simm.s32 $0x300;
	s14 =	simm.s32 $0x5380  }
0x19: {  	[tilespmem:s28], [sflag:$0x1] =	stream.indirect.gather [hbm4b:s4+s8], $0x1, s29, s8, $0xb8;
	[tilespmem:$0xA400] =	vst v63  }
0x1a: {  	s15 =	simm.s32 $0x380;
	s12 =	simm.s32 $0x400;
	s13 =	simm.s32 $0x2000  }
0x1b: {  	[tilespmem:s30], [sflag:$0x1] =	stream.indirect.gather [hbm4b:s4+s8], $0x1, s31, s8, $0xb8;
	[tilespmem:$0xA400] =	vst v63  }
.LBB2_2:
0x1c: {  	[tilespmem:s14], [sflag:$0x1] =	stream.indirect.gather [hbm4b:s4+s8], $0x1, s15, s8, $0xb8;
	[tilespmem:$0xA400] =	vst v63  }
0x1d: {  	s14 =	smov.u32 s13  }
0x1e: {  	s17 =	sadd.s32 $0x1000, s13;
	s16 =	sshra.s32 s14, $0x2;
	s14 =	sadd.s32 $0x5000, s12  }
0x1f: {  	[tilespmem:s14], [sflag:$0x1] =	stream.indirect.gather [hbm4b:s4+s8], $0x1, s12, s8, $0xb8;
	[tilespmem:$0xA400] =	vst v63  }
0x20: {  	p0 =	sne.s32 s13, $0x13000;
	s13 =	sadd.s32 $0x5080, s12;
	s14 =	sadd.s32 $0x80, s12  }
0x21: {  	[tilespmem:s13], [sflag:$0x1] =	stream.indirect.gather [hbm4b:s4+s8], $0x1, s14, s8, $0xb8;
	[tilespmem:$0xA400] =	vst v63  }
0x22: {  	s13 =	sadd.s32 $0x5100, s12;
	s14 =	sadd.s32 $0x100, s12  }
0x23: {  	[tilespmem:s13], [sflag:$0x1] =	stream.indirect.gather [hbm4b:s4+s8], $0x1, s14, s8, $0xb8;
	[tilespmem:$0xA400] =	vst v63  }
0x24: {  	s13 =	sadd.s32 $0x5180, s12;
	s14 =	sadd.s32 $0x180, s12  }
0x25: {  	[tilespmem:s13], [sflag:$0x1] =	stream.indirect.gather [hbm4b:s4+s8], $0x1, s14, s8, $0xb8;
	[tilespmem:$0xA400] =	vst v63  }
0x26: {  	s13 =	sadd.s32 $0x5200, s12;
	s14 =	sadd.s32 $0x200, s12  }
0x27: {  	[tilespmem:s13], [sflag:$0x1] =	stream.indirect.gather [hbm4b:s4+s8], $0x1, s14, s8, $0xb8;
	[tilespmem:$0xA400] =	vst v63  }
.Ltmp0:
0x28: {  	s13 =	sadd.s32 $0x5280, s12;
	s14 =	sadd.s32 $0x280, s12;
	(pc) =	sbr.rel @p0 .LBB2_2-.Ltmp0, $4  }
0x29: {  	[tilespmem:s13], [sflag:$0x1] =	stream.indirect.gather [hbm4b:s4+s8], $0x1, s14, s8, $0xb8;
	[tilespmem:$0xA400] =	vst v63  }
0x2a: {  	s15 =	sadd.s32 $0x380, s12;
	s13 =	sadd.s32 $0x5300, s12;
	s14 =	sadd.s32 $0x300, s12  }
0x2b: {  	[tilespmem:s13], [sflag:$0x1] =	stream.indirect.gather [hbm4b:s4+s8], $0x1, s14, s8, $0xb8;
	[tilespmem:$0xA400] =	vst v63  }
0x2c: {  	s14 =	sadd.s32 $0x5380, s12;
	s12 =	smov.u32 s16;
	s13 =	smov.u32 s17  }
0x2d: {  	[tilespmem:s14], [sflag:$0x1] =	stream.indirect.gather [hbm4b:s4+s8], $0x1, s15, s8, $0xb8;
	[tilespmem:$0xA400] =	vst v63  }
0x2e: {  	s13 =	sadd.s32 $0x5000, s12  }
0x2f: {  	[tilespmem:s13], [sflag:$0x1] =	stream.indirect.gather [hbm4b:s4+s8], $0x1, s12, s8, $0xb8;
	[tilespmem:$0xA400] =	vst v63  }
0x30: {  	s17 =	sadd.s32 $0x5080, s12;
	s18 =	sadd.s32 $0x80, s12  }
0x31: {  	[tilespmem:s17], [sflag:$0x1] =	stream.indirect.gather [hbm4b:s4+s8], $0x1, s18, s8, $0xb8;
	[tilespmem:$0xA400] =	vst v63  }
0x32: {  	s19 =	sadd.s32 $0x5100, s12;
	s20 =	sadd.s32 $0x100, s12  }
0x33: {  	[tilespmem:s19], [sflag:$0x1] =	stream.indirect.gather [hbm4b:s4+s8], $0x1, s20, s8, $0xb8;
	[tilespmem:$0xA400] =	vst v63  }
0x34: {  	s21 =	sadd.s32 $0x5180, s12;
	s22 =	sadd.s32 $0x180, s12  }
0x35: {  	[tilespmem:s21], [sflag:$0x1] =	stream.indirect.gather [hbm4b:s4+s8], $0x1, s22, s8, $0xb8;
	[tilespmem:$0xA400] =	vst v63  }
0x36: {  	s23 =	sadd.s32 $0x5200, s12;
	s24 =	sadd.s32 $0x200, s12  }
0x37: {  	[tilespmem:s23], [sflag:$0x1] =	stream.indirect.gather [hbm4b:s4+s8], $0x1, s24, s8, $0xb8;
	[tilespmem:$0xA400] =	vst v63  }
0x38: {  	s25 =	sadd.s32 $0x5280, s12;
	s26 =	sadd.s32 $0x280, s12  }
0x39: {  	[tilespmem:s25], [sflag:$0x1] =	stream.indirect.gather [hbm4b:s4+s8], $0x1, s26, s8, $0xb8;
	[tilespmem:$0xA400] =	vst v63  }
0x3a: {  	s28 =	sadd.s32 $0x5300, s12;
	s29 =	sadd.s32 $0x300, s12  }
0x3b: {  	[tilespmem:s28], [sflag:$0x1] =	stream.indirect.gather [hbm4b:s4+s8], $0x1, s29, s8, $0xb8;
	[tilespmem:$0xA400] =	vst v63  }
0x3c: {  	s30 =	sadd.s32 $0x5380, s12;
	s31 =	sadd.s32 $0x380, s12  }
0x3d: {  	[tilespmem:s30], [sflag:$0x1] =	stream.indirect.gather [hbm4b:s4+s8], $0x1, s31, s8, $0xb8;
	[tilespmem:$0xA400] =	vst v63  }
0x3e: {  	_ =	swait.ge [sflag:s9], $0x5000  }
0x3f: {  	[sflag:s9] =	ssyncset.done $0x0  }
0x40: {  	s13 =	simm.s32 $0x0;
	[sflag:s9] =	ssyncadd.s32 $0xFFFFB000  }
0x41: {  	v0 =	vld [tilespmem:s13+$0x5000];
	_ =	sdelay $0x1  }
0x42: {  	v1 =	vld [tilespmem:s13+$0x5400];
	_ =	sdelay $0x1  }
0x43: {  	v2 =	vld [tilespmem:s13+$0x5800]  }
0x44: {  	v0 =	vadd.f32 $0.0e+00, v0  }
0x45: {  	v3 =	vld [tilespmem:s13+$0x5C00]  }
0x46: {  	v0 =	vadd.f32 v1, v0  }
0x47: {  	v1 =	vld [tilespmem:s13+$0x6000]  }
0x48: {  	v0 =	vadd.f32 v2, v0  }
0x49: {  	v2 =	vld [tilespmem:s13+$0x6400]  }
0x4a: {  	v0 =	vadd.f32 v3, v0  }
0x4b: {  	v3 =	vld [tilespmem:s13+$0x6800]  }
0x4c: {  	v0 =	vadd.f32 v1, v0  }
0x4d: {  	v1 =	vld [tilespmem:s13+$0x6C00]  }
0x4e: {  	v0 =	vadd.f32 v2, v0  }
0x4f: {  	v2 =	vld [tilespmem:s13+$0x7000]  }
0x50: {  	v0 =	vadd.f32 v3, v0  }
0x51: {  	s12 =	simm.s32 $0x10;
	v3 =	vld [tilespmem:s13+$0x7400]  }
0x52: {  	v4 =	vld [tilespmem:s12+$0x5000];
	v0 =	vadd.f32 v1, v0  }
0x53: {  	v1 =	vld [tilespmem:s13+$0x7800]  }
0x54: {  	v5 =	vld [tilespmem:s12+$0x5400];
	v0 =	vadd.f32 v2, v0  }
0x55: {  	v2 =	vld [tilespmem:s13+$0x7C00]  }
0x56: {  	v6 =	vld [tilespmem:s12+$0x5800];
	v0 =	vadd.f32 v3, v0  }
0x57: {  	v3 =	vld [tilespmem:s13+$0x8000]  }
0x58: {  	v7 =	vld [tilespmem:s12+$0x5C00];
	v4 =	vadd.f32 $0.0e+00, v4;
	v0 =	vadd.f32 v1, v0  }
0x59: {  	v1 =	vld [tilespmem:s13+$0x8400]  }
0x5a: {  	v4 =	vadd.f32 v5, v4;
	v5 =	vld [tilespmem:s12+$0x6000];
	v0 =	vadd.f32 v2, v0  }
0x5b: {  	v2 =	vld [tilespmem:s13+$0x8800]  }
0x5c: {  	v4 =	vadd.f32 v6, v4;
	v6 =	vld [tilespmem:s12+$0x6400];
	v0 =	vadd.f32 v3, v0  }
0x5d: {  	v3 =	vld [tilespmem:s13+$0x8C00]  }
0x5e: {  	v8 =	vld [tilespmem:s12+$0x6800];
	v4 =	vadd.f32 v7, v4;
	v0 =	vadd.f32 v1, v0  }
0x5f: {  	v7 =	vld [tilespmem:s13+$0x9000]  }
0x60: {  	v9 =	vld [tilespmem:s13+$0x9400];
	v1 =	vadd.f32 v5, v4;
	v0 =	vadd.f32 v2, v0  }
0x61: {  	v5 =	vld [tilespmem:s12+$0x6C00]  }
0x62: {  	v2 =	vadd.f32 v6, v1;
	v1 =	vld [tilespmem:s13+$0x9800];
	v0 =	vadd.f32 v3, v0  }
0x63: {  	v3 =	vld [tilespmem:s12+$0x7000]  }
0x64: {  	v4 =	vld [tilespmem:s12+$0x7400];
	v6 =	vadd.f32 v8, v2;
	v7 =	vadd.f32 v7, v0  }
0x65: {  	v2 =	vld [tilespmem:s13+$0x9C00]  }
0x66: {  	s14 =	simm.s32 $0x20;
	s15 =	simm.s32 $0xC0;
	v5 =	vadd.f32 v5, v6;
	v0 =	vld [tilespmem:s12+$0x7800];
	v6 =	vadd.f32 v9, v7  }
.LBB2_4:
0x67: {  	p0 =	sne.s32 s15, $0xFC0;
	v7 =	vld [tilespmem:s14+$0x5000]  }
0x68: {  	v3 =	vadd.f32 v3, v5;
	v5 =	vld [tilespmem:s12+$0x7C00];
	v1 =	vadd.f32 v1, v6  }
0x69: {  	v6 =	vld [tilespmem:s14+$0x5400]  }
0x6a: {  	v3 =	vadd.f32 v4, v3;
	v4 =	vld [tilespmem:s12+$0x8000];
	v1 =	vadd.f32 v2, v1  }
0x6b: {  	v2 =	vld [tilespmem:s14+$0x5800]  }
0x6c: {  	v7 =	vadd.f32 $0.0e+00, v7;
	v0 =	vadd.f32 v0, v3;
	v3 =	vld [tilespmem:s12+$0x8400];
	v1 =	vmul.f32 $5.000000070e-02, v1  }
0x6d: {  	v8 =	vld [tilespmem:s14+$0x5C00]  }
0x6e: {  	v6 =	vadd.f32 v6, v7;
	v0 =	vadd.f32 v5, v0;
	v5 =	vld [tilespmem:s12+$0x8800];
	[tilespmem:s13+$0xA000] =	vst v1;
	s13 =	smov.u32 s12;
	s12 =	smov.u32 s14  }
0x6f: {  	v1 =	vld [tilespmem:s12+$0x6000]  }
0x70: {  	v2 =	vadd.f32 v2, v6;
	v0 =	vadd.f32 v4, v0;
	v4 =	vld [tilespmem:s13+$0x8C00]  }
0x71: {  	v6 =	vld [tilespmem:s12+$0x6400]  }
0x72: {  	v2 =	vadd.f32 v8, v2;
	v0 =	vadd.f32 v3, v0;
	v7 =	vld [tilespmem:s13+$0x9000]  }
0x73: {  	v8 =	vld [tilespmem:s12+$0x6800]  }
0x74: {  	v1 =	vadd.f32 v1, v2;
	v0 =	vadd.f32 v5, v0;
	v9 =	vld [tilespmem:s13+$0x9400]  }
0x75: {  	v5 =	vld [tilespmem:s12+$0x6C00]  }
.Ltmp1:
0x76: {  	v2 =	vadd.f32 v6, v1;
	v0 =	vadd.f32 v4, v0;
	v1 =	vld [tilespmem:s13+$0x9800];
	(pc) =	sbr.rel @p0 .LBB2_4-.Ltmp1, $4  }
0x77: {  	v3 =	vld [tilespmem:s12+$0x7000]  }
0x78: {  	v6 =	vadd.f32 v8, v2;
	v7 =	vadd.f32 v7, v0;
	v2 =	vld [tilespmem:s13+$0x9C00]  }
0x79: {  	v4 =	vld [tilespmem:s12+$0x7400]  }
0x7a: {  	s14 =	sshra.s32 s15, $0x2;
	s15 =	sadd.s32 $0x40, s15;
	v5 =	vadd.f32 v5, v6;
	v0 =	vld [tilespmem:s12+$0x7800];
	v6 =	vadd.f32 v9, v7  }
0x7b: {  	v7 =	vld [tilespmem:s14+$0x5000]  }
0x7c: {  	v8 =	vld [tilespmem:s12+$0x7C00];
	v1 =	vadd.f32 v1, v6  }
0x7d: {  	v37 =	vld [tilespmem:s14+$0x5400]  }
0x7e: {  	v9 =	vld [tilespmem:s12+$0x8000];
	v3 =	vadd.f32 v3, v5;
	v1 =	vadd.f32 v2, v1  }
0x7f: {  	v38 =	vld [tilespmem:s14+$0x5800]  }
0x80: {  	v39 =	vld [tilespmem:s12+$0x8400];
	v3 =	vadd.f32 v4, v3;
	v40 =	vadd.f32 $0.0e+00, v7;
	v1 =	vmul.f32 $5.000000070e-02, v1  }
0x81: {  	v41 =	vld [tilespmem:s14+$0x5C00]  }
0x82: {  	v10 =	vld [tilespmem:s12+$0x8800];
	v0 =	vadd.f32 v0, v3;
	v42 =	vadd.f32 v37, v40;
	[tilespmem:s13+$0xA000] =	vst v1  }
0x83: {  	v1 =	vld [tilespmem:s14+$0x6000]  }
0x84: {  	v0 =	vadd.f32 v8, v0;
	v2 =	vadd.f32 v38, v42  }
0x85: {  	v43 =	vld [tilespmem:s14+$0x6400]  }
0x86: {  	v44 =	vld [tilespmem:s12+$0x8C00];
	v0 =	vadd.f32 v9, v0;
	v2 =	vadd.f32 v41, v2  }
0x87: {  	v45 =	vld [tilespmem:s14+$0x6800]  }
0x88: {  	v46 =	vld [tilespmem:s12+$0x9000];
	v0 =	vadd.f32 v39, v0;
	v1 =	vadd.f32 v1, v2  }
0x89: {  	v47 =	vld [tilespmem:s14+$0x6C00]  }
0x8a: {  	v48 =	vld [tilespmem:s12+$0x9400];
	v0 =	vadd.f32 v10, v0;
	v1 =	vadd.f32 v43, v1  }
0x8b: {  	v49 =	vld [tilespmem:s14+$0x7000]  }
0x8c: {  	v50 =	vld [tilespmem:s12+$0x9800];
	v0 =	vadd.f32 v44, v0;
	v1 =	vadd.f32 v45, v1  }
0x8d: {  	v51 =	vld [tilespmem:s14+$0x7400]  }
0x8e: {  	v52 =	vld [tilespmem:s12+$0x9C00];
	v0 =	vadd.f32 v46, v0;
	v1 =	vadd.f32 v47, v1  }
0x8f: {  	v53 =	vld [tilespmem:s14+$0x7800]  }
0x90: {  	v0 =	vadd.f32 v48, v0;
	v1 =	vadd.f32 v49, v1  }
0x91: {  	v54 =	vld [tilespmem:s14+$0x7C00]  }
0x92: {  	v0 =	vadd.f32 v50, v0;
	v1 =	vadd.f32 v51, v1  }
0x93: {  	v55 =	vld [tilespmem:s14+$0x8000]  }
0x94: {  	v0 =	vadd.f32 v52, v0;
	v1 =	vadd.f32 v53, v1  }
0x95: {  	v56 =	vld [tilespmem:s14+$0x8400]  }
0x96: {  	v0 =	vmul.f32 $5.000000070e-02, v0;
	v1 =	vadd.f32 v54, v1  }
0x97: {  	v57 =	vld [tilespmem:s14+$0x8800]  }
0x98: {  	[tilespmem:s12+$0xA000] =	vst v0;
	v58 =	vadd.f32 v55, v1  }
0x99: {  	v59 =	vld [tilespmem:s14+$0x8C00]  }
0x9a: {  	v0 =	vadd.f32 v56, v58  }
0x9b: {  	v60 =	vld [tilespmem:s14+$0x9000]  }
0x9c: {  	v0 =	vadd.f32 v57, v0  }
0x9d: {  	v61 =	vld [tilespmem:s14+$0x9400]  }
0x9e: {  	v0 =	vadd.f32 v59, v0  }
0x9f: {  	v62 =	vld [tilespmem:s14+$0x9800]  }
0xa0: {  	v0 =	vadd.f32 v60, v0  }
0xa1: {  	v63 =	vld [tilespmem:s14+$0x9C00]  }
0xa2: {  	v0 =	vadd.f32 v61, v0;
	_ =	sdelay $0x1  }
0xa3: {  	v0 =	vadd.f32 v62, v0;
	_ =	sdelay $0x1  }
0xa4: {  	v0 =	vadd.f32 v63, v0;
	_ =	sdelay $0x1  }
0xa5: {  	s11 =	sadd.s32 $0x1, s11;
	v0 =	vmul.f32 $5.000000070e-02, v0  }
0xa6: {  	p0 =	sne.s32 s11, s6  }
.Ltmp2:
0xa7: {  	[tilespmem:s14+$0xA000] =	vst v0;
	(pc) =	sbr.rel @p0 .LBB2_1-.Ltmp2, $4  }
0xa8: {  	[hbm4b:s5+s2] =	stream.linear.scatter [tilespmem:s10], [sflag:$0x2], $0x400, $0x38;
	[tilespmem:$0xA400] =	vst v63  }
0xa9: {  	_ =	swait.ge [sflag:s7], $0x400  }
0xaa: {  	[sflag:s7] =	ssyncset.done $0x0  }
0xab: {  	[sflag:s7] =	ssyncadd.s32 $0xFFFFFC00  }
0xac: {  	_ =	sfence.sel $0x180000  }
0xad: {  	[bflag:$0x0] =	sbarrier.arrive $0xFFFF  }
0xae: {  	p0 =	sne.s32 s1, $0x0;
	_ =	strace $0x90000047  }
0xaf: {  	s0 =	sadd.s32 @!p0 $0x100000, s0;
	[bflag:$0x2] =	sbarrier.arrive $0xFFFF  }
0xb0: {  	[sflag:s0] =	ssyncadd.tile.s32 @!p0 $0x1;
	_ =	shalt  }
.Lfunc_end2:
_tile_overlayer_lowered:
.L_overlay_start_2:
0xb1: {  	(tag) =	ssettag $0x2  }
0xb2: {  	s0 =	rddreg [dreg:$0x0];
	s2 =	stileid.u32  }
0xb3: {  	s1 =	rddreg [dreg:$0x1];
	p0 =	sne.s32 s2, $0x0  }
0xb4: {  	s3 =	rddreg [dreg:$0x2];
	[bflag:$0x3] =	sbarrier.arrive $0xFFFF;
	s2 =	simm.s32 @!p0 $0x1C02  }
0xb5: {  	[timem:s3], [sflag:s2] =	dma.local @!p0 [hbm:s0], s1  }
0xb6: {  	s0 =	simm.s32 @!p0 $0x2  }
0xb7: {  	_ =	swait.ge @!p0 [sflag:s0], s1  }
0xb8: {  	s1 =	ssub.s32 @!p0 $0x0, s1;
	[sflag:s0] =	ssyncset.done @!p0 $0x0  }
0xb9: {  	[sflag:s0] =	ssyncadd.s32 @!p0 s1  }
0xba: {  	[bflag:$0x3] =	sbarrier.arrive $0xFFFF  }
0xbb: {  	_ =	shalt  }

</sc_bundles>
